<compile_context>
chip_gen: v7x
topology: tpu7x:2x2x1
jax: 0.10.2.dev20260603
libtpu: 0.0.44.dev20260713+nightly
codegen_flags: <defaults>
</compile_context>

<pallas_src>
import functools

import jax
import jax.numpy as jnp
from jax import lax
from jax.experimental import pallas as pl
from jax.experimental.pallas import tpu as pltpu
from jax.experimental.pallas import tpu_sc as plsc

ROWS = 16384
COLS = 12
OG_COLS = 24
NW = 32
ROWS_PER_W = ROWS // NW
ELEMS_PER_W = ROWS_PER_W * COLS
PAD = 16
UNROLL = 4

_MESH = plsc.VectorSubcoreMesh(core_axis_name="c", subcore_axis_name="s")


@functools.partial(
    pl.kernel,
    mesh=_MESH,
    compiler_params=pltpu.CompilerParams(use_tc_tiling_on_sc=False),
    out_type=jax.ShapeDtypeStruct((NW, 16), jnp.float32),
    scratch_types=[
        pltpu.VMEM((ELEMS_PER_W + PAD,), jnp.float32),
        pltpu.VMEM((ELEMS_PER_W + PAD,), jnp.float32),
        pltpu.VMEM((ROWS_PER_W, 16), jnp.float32),
        pltpu.VMEM((16,), jnp.float32),
        pltpu.SemaphoreType.DMA,
        pltpu.SemaphoreType.DMA,
        pltpu.SemaphoreType.DMA,
    ],
)
def _sc_loss(lg_hbm, lb_hbm, og_hbm, out_hbm, lg_v, lb_v, og_v, acc_v,
             sem0, sem1, sem2):
    wid = lax.axis_index("s") * 2 + lax.axis_index("c")
    rbase = wid * ROWS_PER_W

    c1 = pltpu.async_copy(lg_hbm.at[pl.ds(wid * ELEMS_PER_W, ELEMS_PER_W)],
                          lg_v.at[pl.ds(0, ELEMS_PER_W)], sem0)
    c2 = pltpu.async_copy(lb_hbm.at[pl.ds(wid * ELEMS_PER_W, ELEMS_PER_W)],
                          lb_v.at[pl.ds(0, ELEMS_PER_W)], sem1)
    c3 = pltpu.async_copy(
        og_hbm.at[pl.ds(rbase, ROWS_PER_W), pl.ds(0, 16)], og_v, sem2)
    c1.wait()
    c2.wait()
    c3.wait()

    zero = jnp.zeros((16,), jnp.float32)
    one = jnp.full((16,), 1.0, jnp.float32)
    thr = jnp.full((16,), 0.001, jnp.float32)
    valid = lax.iota(jnp.int32, 16) < COLS

    def row_loss(r):
        lg = lg_v[pl.ds(r * COLS, 16)]
        lb = lb_v[pl.ds(r * COLS, 16)]
        og = og_v[r, :]
        l = jnp.where(lg > zero, og, zero)
        tm = lb > thr
        diff = l - lb
        safe = jnp.where(tm, lb, one)
        pe = jnp.where(tm, diff * diff / safe, l * l)
        return jnp.where(valid, pe, zero)

    def body(g, accs):
        r0 = g * UNROLL
        return tuple(accs[u] + row_loss(r0 + u) for u in range(UNROLL))

    accs = lax.fori_loop(0, 1, body, (zero,) * UNROLL)
    total = accs[0]
    for u in range(1, UNROLL):
        total = total + accs[u]
    acc_v[...] = total
    pltpu.sync_copy(acc_v, out_hbm.at[wid])


def kernel(logits, label, og_x):
    lg = logits.reshape(-1)
    lb = label.reshape(-1)
    og = og_x.reshape(ROWS, OG_COLS)
    partials = _sc_loss(lg, lb, og)
    return jnp.sum(partials) / jnp.float32(lg.size)

# --- scband reference (transcript-rebuilt; emitter-appended) ---
"""Pipeline reference for scband-custom-loss-29841432773001 (READ-ONLY COPY).

The authoritative reference and input builder live on the scoring server;
editing this copy changes nothing except your own understanding.
"""

import jax, jax.numpy as jnp
import numpy as np


def setup_inputs(seed: int = 0) -> dict:
    key = jax.random.key(seed)
    k1, k2, k3 = jax.random.split(key, 3)
    logits = jax.random.normal(k1, (16384, 12, 1), dtype=jnp.float32)
    label = jax.random.uniform(k2, (16384, 12, 1), dtype=jnp.float32)
    og_x = jax.random.normal(k3, (16384, 24, 1), dtype=jnp.float32)
    return {"logits": logits, "label": label, "og_x": og_x}


def reference(logits, label, og_x):
    # og_x.squeeze()[:, :12, None]
    og = jnp.squeeze(og_x)[:, :12, None]
    # mask = sigmoid(logits) > 0.5; logits[mask] = og[mask]; logits[~mask] = 0
    mask = jax.nn.sigmoid(logits) > 0.5
    l = jnp.where(mask, og, jnp.zeros_like(logits))
    # true_mask = label > 0.001
    tm = label > 0.001
    safe_label = jnp.where(tm, label, jnp.ones_like(label))
    per_elem = jnp.where(tm, (l - label) ** 2 / safe_label, l ** 2)
    # denominator = loss_pos.shape[0] + loss_neg.shape[0] == total element count
    n = per_elem.size
    return per_elem.sum() / n

if __name__ == "__main__":
    import jax
    _d = setup_inputs()
    print(jax.jit(kernel)(*tuple(_d.values())))

</pallas_src>

<mosaic_0001>
#map = affine_map<(d0, d1) -> (0)>
#map1 = affine_map<(d0, d1) -> (0, 0)>
module attributes {stable_mosaic.version = 14 : i64} {
  func.func @_sc_loss(%arg0: i32, %arg1: i32, %arg2: memref<196608xf32, #tpu.memory_space<hbm>>, %arg3: memref<196608xf32, #tpu.memory_space<hbm>>, %arg4: memref<16384x24xf32, #tpu.memory_space<hbm>>, %arg5: memref<32x16xf32, #tpu.memory_space<hbm>>, %arg6: memref<6160xf32, #tpu.memory_space<vmem>>, %arg7: memref<6160xf32, #tpu.memory_space<vmem>>, %arg8: memref<512x16xf32, #tpu.memory_space<vmem>>, %arg9: memref<16xf32, #tpu.memory_space<vmem>>, %arg10: memref<!tpu.dma_semaphore, #tpu.memory_space<semaphore_mem>>, %arg11: memref<!tpu.dma_semaphore, #tpu.memory_space<semaphore_mem>>, %arg12: memref<!tpu.dma_semaphore, #tpu.memory_space<semaphore_mem>>) attributes {dimension_semantics = [#tpu.dimension_semantics<core_parallel>, #tpu.dimension_semantics<subcore_parallel>], iteration_bounds = array<i64: 2, 16>, scalar_prefetch = 0 : i64, scratch_operands = 7 : i64, tpu.core_type = #tpu.core_type<sc_vector_subcore>, window_params = [{transform_indices = #map}, {transform_indices = #map}, {transform_indices = #map1}, {transform_indices = #map1}]} {
    %mul3A = arith.constant 2 : i32
    %mul3A_0 = arith.muli %arg1, %mul3A : i32
    %add3A = arith.addi %mul3A_0, %arg0 : i32
    %mul3A_1 = arith.constant 512 : i32
    %mul3A_2 = arith.muli %add3A, %mul3A_1 : i32
    %mul3A_3 = arith.constant 6144 : i32
    %mul3A_4 = arith.muli %add3A, %mul3A_3 : i32
    %dma_start3A = arith.constant 0 : i32
    %dma_start3A_5 = tpu.memref_slice %arg6[%dma_start3A] : memref<6160xf32, #tpu.memory_space<vmem>> -> memref<6144xf32, #tpu.memory_space<vmem>>
    %dma_start3A_6 = tpu.memref_slice %arg2[%mul3A_4] : memref<196608xf32, #tpu.memory_space<hbm>> -> memref<6144xf32, #tpu.memory_space<hbm>>
    %dma_start3A_7 = arith.constant 0 : i32
    %dma_start3A_8 = tpu.memref_slice %arg6[%dma_start3A_7] : memref<6160xf32, #tpu.memory_space<vmem>> -> memref<6144xf32, #tpu.memory_space<vmem>>
    %dma_start3A_9 = tpu.memref_slice %arg2[%mul3A_4] : memref<196608xf32, #tpu.memory_space<hbm>> -> memref<6144xf32, #tpu.memory_space<hbm>>
    tpu.enqueue_dma source(%dma_start3A_9 : memref<6144xf32, #tpu.memory_space<hbm>>) target(%dma_start3A_8 : memref<6144xf32, #tpu.memory_space<vmem>>) target_semaphore(%arg10 : memref<!tpu.dma_semaphore, #tpu.memory_space<semaphore_mem>>)
    %mul3A_10 = arith.constant 6144 : i32
    %mul3A_11 = arith.muli %add3A, %mul3A_10 : i32
    %dma_start3A_12 = arith.constant 0 : i32
    %dma_start3A_13 = tpu.memref_slice %arg7[%dma_start3A_12] : memref<6160xf32, #tpu.memory_space<vmem>> -> memref<6144xf32, #tpu.memory_space<vmem>>
    %dma_start3A_14 = tpu.memref_slice %arg3[%mul3A_11] : memref<196608xf32, #tpu.memory_space<hbm>> -> memref<6144xf32, #tpu.memory_space<hbm>>
    %dma_start3A_15 = arith.constant 0 : i32
    %dma_start3A_16 = tpu.memref_slice %arg7[%dma_start3A_15] : memref<6160xf32, #tpu.memory_space<vmem>> -> memref<6144xf32, #tpu.memory_space<vmem>>
    %dma_start3A_17 = tpu.memref_slice %arg3[%mul3A_11] : memref<196608xf32, #tpu.memory_space<hbm>> -> memref<6144xf32, #tpu.memory_space<hbm>>
    tpu.enqueue_dma source(%dma_start3A_17 : memref<6144xf32, #tpu.memory_space<hbm>>) target(%dma_start3A_16 : memref<6144xf32, #tpu.memory_space<vmem>>) target_semaphore(%arg11 : memref<!tpu.dma_semaphore, #tpu.memory_space<semaphore_mem>>)
    %dma_start3A_18 = arith.constant 0 : i32
    %dma_start3A_19 = tpu.memref_slice %arg4[%mul3A_2, %dma_start3A_18] : memref<16384x24xf32, #tpu.memory_space<hbm>> -> memref<512x16xf32, #tpu.memory_space<hbm>>
    %dma_start3A_20 = arith.constant 0 : i32
    %dma_start3A_21 = tpu.memref_slice %arg4[%mul3A_2, %dma_start3A_20] : memref<16384x24xf32, #tpu.memory_space<hbm>> -> memref<512x16xf32, #tpu.memory_space<hbm>>
    tpu.enqueue_dma source(%dma_start3A_21 : memref<512x16xf32, #tpu.memory_space<hbm>>) target(%arg8 : memref<512x16xf32, #tpu.memory_space<vmem>>) target_semaphore(%arg12 : memref<!tpu.dma_semaphore, #tpu.memory_space<semaphore_mem>>)
    %dma_wait3A = arith.constant 0 : i32
    %dma_wait3A_22 = tpu.memref_slice %arg6[%dma_wait3A] : memref<6160xf32, #tpu.memory_space<vmem>> -> memref<6144xf32, #tpu.memory_space<vmem>>
    %dma_wait3A_23 = tpu.memref_slice %arg2[%mul3A_4] : memref<196608xf32, #tpu.memory_space<hbm>> -> memref<6144xf32, #tpu.memory_space<hbm>>
    %dma_wait3A_24 = arith.constant 0 : i32
    %dma_wait3A_25 = tpu.memref_slice %arg6[%dma_wait3A_24] : memref<6160xf32, #tpu.memory_space<vmem>> -> memref<6144xf32, #tpu.memory_space<vmem>>
    %dma_wait3A_26 = tpu.memref_slice %arg2[%mul3A_4] : memref<196608xf32, #tpu.memory_space<hbm>> -> memref<6144xf32, #tpu.memory_space<hbm>>
    tpu.wait_dma2 semaphore(%arg10 : memref<!tpu.dma_semaphore, #tpu.memory_space<semaphore_mem>>) src(%dma_wait3A_26 : memref<6144xf32, #tpu.memory_space<hbm>>) dst(%dma_wait3A_25 : memref<6144xf32, #tpu.memory_space<vmem>>)
    %dma_wait3A_27 = arith.constant 0 : i32
    %dma_wait3A_28 = tpu.memref_slice %arg7[%dma_wait3A_27] : memref<6160xf32, #tpu.memory_space<vmem>> -> memref<6144xf32, #tpu.memory_space<vmem>>
    %dma_wait3A_29 = tpu.memref_slice %arg3[%mul3A_11] : memref<196608xf32, #tpu.memory_space<hbm>> -> memref<6144xf32, #tpu.memory_space<hbm>>
    %dma_wait3A_30 = arith.constant 0 : i32
    %dma_wait3A_31 = tpu.memref_slice %arg7[%dma_wait3A_30] : memref<6160xf32, #tpu.memory_space<vmem>> -> memref<6144xf32, #tpu.memory_space<vmem>>
    %dma_wait3A_32 = tpu.memref_slice %arg3[%mul3A_11] : memref<196608xf32, #tpu.memory_space<hbm>> -> memref<6144xf32, #tpu.memory_space<hbm>>
    tpu.wait_dma2 semaphore(%arg11 : memref<!tpu.dma_semaphore, #tpu.memory_space<semaphore_mem>>) src(%dma_wait3A_32 : memref<6144xf32, #tpu.memory_space<hbm>>) dst(%dma_wait3A_31 : memref<6144xf32, #tpu.memory_space<vmem>>)
    %dma_wait3A_33 = arith.constant 0 : i32
    %dma_wait3A_34 = tpu.memref_slice %arg4[%mul3A_2, %dma_wait3A_33] : memref<16384x24xf32, #tpu.memory_space<hbm>> -> memref<512x16xf32, #tpu.memory_space<hbm>>
    %dma_wait3A_35 = arith.constant 0 : i32
    %dma_wait3A_36 = tpu.memref_slice %arg4[%mul3A_2, %dma_wait3A_35] : memref<16384x24xf32, #tpu.memory_space<hbm>> -> memref<512x16xf32, #tpu.memory_space<hbm>>
    tpu.wait_dma2 semaphore(%arg12 : memref<!tpu.dma_semaphore, #tpu.memory_space<semaphore_mem>>) src(%dma_wait3A_36 : memref<512x16xf32, #tpu.memory_space<hbm>>) dst(%arg8 : memref<512x16xf32, #tpu.memory_space<vmem>>)
    %broadcast_in_dim3A = arith.constant 0.000000e+00 : f32
    %broadcast_in_dim3A_37 = vector.broadcast %broadcast_in_dim3A : f32 to vector<16xf32>
    %broadcast_in_dim3A_38 = arith.constant 1.000000e+00 : f32
    %broadcast_in_dim3A_39 = vector.broadcast %broadcast_in_dim3A_38 : f32 to vector<16xf32>
    %broadcast_in_dim3A_40 = arith.constant 1.000000e-03 : f32
    %broadcast_in_dim3A_41 = vector.broadcast %broadcast_in_dim3A_40 : f32 to vector<16xf32>
    %iota3A = tpu.iota {dimensions = array<i32: 0>} : vector<16xi32>
    %lt3A = arith.constant 12 : i32
    %lt3A_42 = vector.broadcast %lt3A : i32 to vector<16xi32>
    %lt3A_43 = arith.cmpi slt, %iota3A, %lt3A_42 : vector<16xi32>
    %scan3A = arith.constant 0 : i32
    %mul3A_44 = arith.constant 4 : i32
    %mul3A_45 = arith.muli %scan3A, %mul3A_44 : i32
    %add3A_46 = arith.constant 0 : i32
    %add3A_47 = arith.addi %mul3A_45, %add3A_46 : i32
    %mul3A_48 = arith.constant 12 : i32
    %mul3A_49 = arith.muli %add3A_47, %mul3A_48 : i32
    %get3A = arith.index_cast %mul3A_49 : i32 to index
    %get3A_50 = tpu.vector_load %arg6[%get3A] {strides = array<i32>} : memref<6160xf32, #tpu.memory_space<vmem>>, vector<16xf32>,
    %get3A_51 = vector.shape_cast %get3A_50 : vector<16xf32> to vector<16xf32>
    %mul3A_52 = arith.constant 12 : i32
    %mul3A_53 = arith.muli %add3A_47, %mul3A_52 : i32
    %get3A_54 = arith.index_cast %mul3A_53 : i32 to index
    %get3A_55 = tpu.vector_load %arg7[%get3A_54] {strides = array<i32>} : memref<6160xf32, #tpu.memory_space<vmem>>, vector<16xf32>,
    %get3A_56 = vector.shape_cast %get3A_55 : vector<16xf32> to vector<16xf32>
    %get3A_57 = arith.index_cast %add3A_47 : i32 to index
    %get3A_58 = arith.constant 0 : index
    %get3A_59 = tpu.vector_load %arg8[%get3A_57, %get3A_58] {strides = array<i32>} : memref<512x16xf32, #tpu.memory_space<vmem>>, vector<1x16xf32>,
    %get3A_60 = vector.shape_cast %get3A_59 : vector<1x16xf32> to vector<16xf32>
    %gt3A = arith.cmpf ogt, %get3A_51, %broadcast_in_dim3A_37 : vector<16xf32>
    %select_n3A = arith.select %gt3A, %get3A_60, %broadcast_in_dim3A_37 : vector<16xi1>, vector<16xf32>
    %gt3A_61 = arith.cmpf ogt, %get3A_56, %broadcast_in_dim3A_41 : vector<16xf32>
    %sub3A = arith.subf %select_n3A, %get3A_56 : vector<16xf32>
    %select_n3A_62 = arith.select %gt3A_61, %get3A_56, %broadcast_in_dim3A_39 : vector<16xi1>, vector<16xf32>
    %mul3A_63 = arith.mulf %sub3A, %sub3A : vector<16xf32>
    %div3A = arith.divf %mul3A_63, %select_n3A_62 : vector<16xf32>
    %mul3A_64 = arith.mulf %select_n3A, %select_n3A : vector<16xf32>
    %select_n3A_65 = arith.select %gt3A_61, %div3A, %mul3A_64 : vector<16xi1>, vector<16xf32>
    %select_n3A_66 = arith.select %lt3A_43, %select_n3A_65, %broadcast_in_dim3A_37 : vector<16xi1>, vector<16xf32>
    %add3A_67 = arith.addf %broadcast_in_dim3A_37, %select_n3A_66 : vector<16xf32>
    %add3A_68 = arith.constant 1 : i32
    %add3A_69 = arith.addi %mul3A_45, %add3A_68 : i32
    %mul3A_70 = arith.constant 12 : i32
    %mul3A_71 = arith.muli %add3A_69, %mul3A_70 : i32
    %get3A_72 = arith.index_cast %mul3A_71 : i32 to index
    %get3A_73 = tpu.vector_load %arg6[%get3A_72] {strides = array<i32>} : memref<6160xf32, #tpu.memory_space<vmem>>, vector<16xf32>,
    %get3A_74 = vector.shape_cast %get3A_73 : vector<16xf32> to vector<16xf32>
    %mul3A_75 = arith.constant 12 : i32
    %mul3A_76 = arith.muli %add3A_69, %mul3A_75 : i32
    %get3A_77 = arith.index_cast %mul3A_76 : i32 to index
    %get3A_78 = tpu.vector_load %arg7[%get3A_77] {strides = array<i32>} : memref<6160xf32, #tpu.memory_space<vmem>>, vector<16xf32>,
    %get3A_79 = vector.shape_cast %get3A_78 : vector<16xf32> to vector<16xf32>
    %get3A_80 = arith.index_cast %add3A_69 : i32 to index
    %get3A_81 = arith.constant 0 : index
    %get3A_82 = tpu.vector_load %arg8[%get3A_80, %get3A_81] {strides = array<i32>} : memref<512x16xf32, #tpu.memory_space<vmem>>, vector<1x16xf32>,
    %get3A_83 = vector.shape_cast %get3A_82 : vector<1x16xf32> to vector<16xf32>
    %gt3A_84 = arith.cmpf ogt, %get3A_74, %broadcast_in_dim3A_37 : vector<16xf32>
    %select_n3A_85 = arith.select %gt3A_84, %get3A_83, %broadcast_in_dim3A_37 : vector<16xi1>, vector<16xf32>
    %gt3A_86 = arith.cmpf ogt, %get3A_79, %broadcast_in_dim3A_41 : vector<16xf32>
    %sub3A_87 = arith.subf %select_n3A_85, %get3A_79 : vector<16xf32>
    %select_n3A_88 = arith.select %gt3A_86, %get3A_79, %broadcast_in_dim3A_39 : vector<16xi1>, vector<16xf32>
    %mul3A_89 = arith.mulf %sub3A_87, %sub3A_87 : vector<16xf32>
    %div3A_90 = arith.divf %mul3A_89, %select_n3A_88 : vector<16xf32>
    %mul3A_91 = arith.mulf %select_n3A_85, %select_n3A_85 : vector<16xf32>
    %select_n3A_92 = arith.select %gt3A_86, %div3A_90, %mul3A_91 : vector<16xi1>, vector<16xf32>
    %select_n3A_93 = arith.select %lt3A_43, %select_n3A_92, %broadcast_in_dim3A_37 : vector<16xi1>, vector<16xf32>
    %add3A_94 = arith.addf %broadcast_in_dim3A_37, %select_n3A_93 : vector<16xf32>
    %add3A_95 = arith.constant 2 : i32
    %add3A_96 = arith.addi %mul3A_45, %add3A_95 : i32
    %mul3A_97 = arith.constant 12 : i32
    %mul3A_98 = arith.muli %add3A_96, %mul3A_97 : i32
    %get3A_99 = arith.index_cast %mul3A_98 : i32 to index
    %get3A_100 = tpu.vector_load %arg6[%get3A_99] {strides = array<i32>} : memref<6160xf32, #tpu.memory_space<vmem>>, vector<16xf32>,
    %get3A_101 = vector.shape_cast %get3A_100 : vector<16xf32> to vector<16xf32>
    %mul3A_102 = arith.constant 12 : i32
    %mul3A_103 = arith.muli %add3A_96, %mul3A_102 : i32
    %get3A_104 = arith.index_cast %mul3A_103 : i32 to index
    %get3A_105 = tpu.vector_load %arg7[%get3A_104] {strides = array<i32>} : memref<6160xf32, #tpu.memory_space<vmem>>, vector<16xf32>,
    %get3A_106 = vector.shape_cast %get3A_105 : vector<16xf32> to vector<16xf32>
    %get3A_107 = arith.index_cast %add3A_96 : i32 to index
    %get3A_108 = arith.constant 0 : index
    %get3A_109 = tpu.vector_load %arg8[%get3A_107, %get3A_108] {strides = array<i32>} : memref<512x16xf32, #tpu.memory_space<vmem>>, vector<1x16xf32>,
    %get3A_110 = vector.shape_cast %get3A_109 : vector<1x16xf32> to vector<16xf32>
    %gt3A_111 = arith.cmpf ogt, %get3A_101, %broadcast_in_dim3A_37 : vector<16xf32>
    %select_n3A_112 = arith.select %gt3A_111, %get3A_110, %broadcast_in_dim3A_37 : vector<16xi1>, vector<16xf32>
    %gt3A_113 = arith.cmpf ogt, %get3A_106, %broadcast_in_dim3A_41 : vector<16xf32>
    %sub3A_114 = arith.subf %select_n3A_112, %get3A_106 : vector<16xf32>
    %select_n3A_115 = arith.select %gt3A_113, %get3A_106, %broadcast_in_dim3A_39 : vector<16xi1>, vector<16xf32>
    %mul3A_116 = arith.mulf %sub3A_114, %sub3A_114 : vector<16xf32>
    %div3A_117 = arith.divf %mul3A_116, %select_n3A_115 : vector<16xf32>
    %mul3A_118 = arith.mulf %select_n3A_112, %select_n3A_112 : vector<16xf32>
    %select_n3A_119 = arith.select %gt3A_113, %div3A_117, %mul3A_118 : vector<16xi1>, vector<16xf32>
    %select_n3A_120 = arith.select %lt3A_43, %select_n3A_119, %broadcast_in_dim3A_37 : vector<16xi1>, vector<16xf32>
    %add3A_121 = arith.addf %broadcast_in_dim3A_37, %select_n3A_120 : vector<16xf32>
    %add3A_122 = arith.constant 3 : i32
    %add3A_123 = arith.addi %mul3A_45, %add3A_122 : i32
    %mul3A_124 = arith.constant 12 : i32
    %mul3A_125 = arith.muli %add3A_123, %mul3A_124 : i32
    %get3A_126 = arith.index_cast %mul3A_125 : i32 to index
    %get3A_127 = tpu.vector_load %arg6[%get3A_126] {strides = array<i32>} : memref<6160xf32, #tpu.memory_space<vmem>>, vector<16xf32>,
    %get3A_128 = vector.shape_cast %get3A_127 : vector<16xf32> to vector<16xf32>
    %mul3A_129 = arith.constant 12 : i32
    %mul3A_130 = arith.muli %add3A_123, %mul3A_129 : i32
    %get3A_131 = arith.index_cast %mul3A_130 : i32 to index
    %get3A_132 = tpu.vector_load %arg7[%get3A_131] {strides = array<i32>} : memref<6160xf32, #tpu.memory_space<vmem>>, vector<16xf32>,
    %get3A_133 = vector.shape_cast %get3A_132 : vector<16xf32> to vector<16xf32>
    %get3A_134 = arith.index_cast %add3A_123 : i32 to index
    %get3A_135 = arith.constant 0 : index
    %get3A_136 = tpu.vector_load %arg8[%get3A_134, %get3A_135] {strides = array<i32>} : memref<512x16xf32, #tpu.memory_space<vmem>>, vector<1x16xf32>,
    %get3A_137 = vector.shape_cast %get3A_136 : vector<1x16xf32> to vector<16xf32>
    %gt3A_138 = arith.cmpf ogt, %get3A_128, %broadcast_in_dim3A_37 : vector<16xf32>
    %select_n3A_139 = arith.select %gt3A_138, %get3A_137, %broadcast_in_dim3A_37 : vector<16xi1>, vector<16xf32>
    %gt3A_140 = arith.cmpf ogt, %get3A_133, %broadcast_in_dim3A_41 : vector<16xf32>
    %sub3A_141 = arith.subf %select_n3A_139, %get3A_133 : vector<16xf32>
    %select_n3A_142 = arith.select %gt3A_140, %get3A_133, %broadcast_in_dim3A_39 : vector<16xi1>, vector<16xf32>
    %mul3A_143 = arith.mulf %sub3A_141, %sub3A_141 : vector<16xf32>
    %div3A_144 = arith.divf %mul3A_143, %select_n3A_142 : vector<16xf32>
    %mul3A_145 = arith.mulf %select_n3A_139, %select_n3A_139 : vector<16xf32>
    %select_n3A_146 = arith.select %gt3A_140, %div3A_144, %mul3A_145 : vector<16xi1>, vector<16xf32>
    %select_n3A_147 = arith.select %lt3A_43, %select_n3A_146, %broadcast_in_dim3A_37 : vector<16xi1>, vector<16xf32>
    %add3A_148 = arith.addf %broadcast_in_dim3A_37, %select_n3A_147 : vector<16xf32>
    %scan3A_149 = arith.constant 1 : i32
    %add3A_150 = arith.addf %add3A_67, %add3A_94 : vector<16xf32>
    %add3A_151 = arith.addf %add3A_150, %add3A_121 : vector<16xf32>
    %add3A_152 = arith.addf %add3A_151, %add3A_148 : vector<16xf32>
    %swap3A = arith.constant 0 : index
    %swap3A_153 = tpu.vector_load %arg9[%swap3A] {strides = array<i32>} : memref<16xf32, #tpu.memory_space<vmem>>, vector<16xf32>,
    %swap3A_154 = vector.shape_cast %swap3A_153 : vector<16xf32> to vector<16xf32>
    %swap3A_155 = vector.shape_cast %add3A_152 : vector<16xf32> to vector<16xf32>
    tpu.vector_store %arg9[%swap3A], %swap3A_155 {strides = array<i32>} : memref<16xf32, #tpu.memory_space<vmem>>, vector<16xf32>,
    "tpu.region"() ({
      %run_scoped3A = tpu.sem_alloc : memref<!tpu.dma_semaphore, #tpu.memory_space<semaphore_mem>>
      %dma_start3A_156 = arith.constant 0 : i32
      %dma_start3A_157 = tpu.memref_slice %arg5[%add3A, %dma_start3A_156] : memref<32x16xf32, #tpu.memory_space<hbm>> -> memref<1x16xf32, #tpu.memory_space<hbm>>
      %dma_start3A_158 = tpu.memref_squeeze %dma_start3A_157 : memref<1x16xf32, #tpu.memory_space<hbm>> -> memref<16xf32, #tpu.memory_space<hbm>>
      %dma_start3A_159 = arith.constant 0 : i32
      %dma_start3A_160 = tpu.memref_slice %arg5[%add3A, %dma_start3A_159] : memref<32x16xf32, #tpu.memory_space<hbm>> -> memref<1x16xf32, #tpu.memory_space<hbm>>
      %dma_start3A_161 = tpu.memref_squeeze %dma_start3A_160 : memref<1x16xf32, #tpu.memory_space<hbm>> -> memref<16xf32, #tpu.memory_space<hbm>>
      tpu.enqueue_dma source(%arg9 : memref<16xf32, #tpu.memory_space<vmem>>) target(%dma_start3A_161 : memref<16xf32, #tpu.memory_space<hbm>>) target_semaphore(%run_scoped3A : memref<!tpu.dma_semaphore, #tpu.memory_space<semaphore_mem>>)
      %dma_wait3A_162 = arith.constant 0 : i32
      %dma_wait3A_163 = tpu.memref_slice %arg5[%add3A, %dma_wait3A_162] : memref<32x16xf32, #tpu.memory_space<hbm>> -> memref<1x16xf32, #tpu.memory_space<hbm>>
      %dma_wait3A_164 = tpu.memref_squeeze %dma_wait3A_163 : memref<1x16xf32, #tpu.memory_space<hbm>> -> memref<16xf32, #tpu.memory_space<hbm>>
      %dma_wait3A_165 = arith.constant 0 : i32
      %dma_wait3A_166 = tpu.memref_slice %arg5[%add3A, %dma_wait3A_165] : memref<32x16xf32, #tpu.memory_space<hbm>> -> memref<1x16xf32, #tpu.memory_space<hbm>>
      %dma_wait3A_167 = tpu.memref_squeeze %dma_wait3A_166 : memref<1x16xf32, #tpu.memory_space<hbm>> -> memref<16xf32, #tpu.memory_space<hbm>>
      tpu.wait_dma2 semaphore(%run_scoped3A : memref<!tpu.dma_semaphore, #tpu.memory_space<semaphore_mem>>) src(%arg9 : memref<16xf32, #tpu.memory_space<vmem>>) dst(%dma_wait3A_167 : memref<16xf32, #tpu.memory_space<hbm>>)
      tpu.yield
    }) : () -> ()
    return
  }
}

</mosaic_0001>

<sc_bundles>
// kernel: kernel.3.cloned.1.call-start
scs
__scs_entry_jumppad:
0x0: {  	(pc) =	sbr.rel $0x88, $3  }
0x1: {  	(tag) =	ssettag $0x0;
	lr =	simm.s32 $0x1  }
0x2: {  	[smem:$0x3F9E] =	sst lr;
	_ =	strace $0xD0000000  }
0x3: {  	_ = 	snop  }
0x4: {  	_ = 	snop  }
0x5: {  	_ = 	snop  }
0x6: {  	_ = 	snop  }
0x7: {  	_ = 	snop  }
__scs_overlays_trampoline_lowered:
0x8: {  	[smem:$0x3FAD] =	sst s0  }
0x9: {  	[smem:$0x3FAE] =	sst s1  }
0xa: {  	[smem:$0x3FAF] =	sst s2  }
0xb: {  	[smem:$0x3FB0] =	sst s3  }
0xc: {  	[smem:$0x3FB1] =	sst s4  }
0xd: {  	[smem:$0x3FB2] =	sst s5  }
0xe: {  	[smem:$0x3FB3] =	sst s6  }
0xf: {  	[smem:$0x3FB4] =	sst s7  }
0x10: {  	[smem:$0x3FB5] =	sst s8  }
0x11: {  	[smem:$0x3FB6] =	sst s9;
	s0 =	simm.s32 @!p0 $0x0  }
0x12: {  	s1 =	sld [smem:$0x3F9C];
	s0 =	simm.s32 @p0 $0x1  }
0x13: {  	[smem:$0x3FB7] =	sst s0;
	s0 =	simm.s32 @!p1 $0x0  }
0x14: {  	s2 =	sld [smem:$0x3F9B];
	s0 =	simm.s32 @p1 $0x1  }
0x15: {  	[smem:$0x3FB8] =	sst s0;
	s0 =	simm.s32 @!p2 $0x0  }
0x16: {  	s3 =	sld [smem:$0x3FDB];
	s0 =	simm.s32 @p2 $0x1  }
0x17: {  	s4 =	simm.s32 $0x1BF5;
	[smem:$0x3FBA] =	sst s0  }
0x18: {  	s0 =	sld [smem:$0x3F9D];
	_ =	swait.ge [sflag:s4], $0x0  }
0x19: {  	s7 =	sld [smem:$0x3F9E]  }
0x1a: {  	s8 =	sadd.s32 $0xFFFFE003, lr  }
0x1b: {  	s9 =	sadd.s32 $0xFFFFFEF7, lr;
	s5 =	simm.s32 $0xFFFFFFFF;
	p2 =	slt.u32 s8, $0xFFFFF086  }
0x1c: {  	p1 =	slt.u32 s9, $0xF7A;
	s5 =	simm.s32 @!p2 $0x0  }
0x1d: {  	s5 =	simm.s32 @p1 $0x1;
	p0 =	seq.s32 s7, s2  }
0x1e: {  	s7 =	smul.u32 @!p0 $0xF7A, s2;
	p2 =	seq.s32 @!p0 s5, $0x0  }
0x1f: {  	s9 =	smul.u32 $0xF7A, s1;
	s8 =	simm.s32 @!p0 $0x1BF5;
	p2 =	por !p2, p0  }
0x20: {  	[sflag:s8] =	ssyncset.s32 @!p0 $0xFFFFF086;
	s6 =	sadd.s32 @!p0 s3, s7;
	s7 =	simm.s32 @!p0 $0x108  }
0x21: {  	s3 =	sadd.s32 s3, s9;
	s6 =	sadd.s32 @!p0 $0x88, s6;
	s7 =	simm.s32 @p2 $0x1082  }
0x22: {  	[simem:s7], [sflag:s8] =	dma.local @!p0 [hbm:s6], $0xF7A  }
0x23: {  	s9 =	sor.u32 $0xD0000000, s2;
	s6 =	simm.s32 $0x108;
	_ =	swait.ge @!p0 [sflag:s8], $0x0  }
0x24: {  	s3 =	sadd.s32 $0x88, s3;
	s6 =	simm.s32 @!p1 $0x1082;
	[sflag:s4] =	ssyncset.s32 $0xFFFFF086  }
0x25: {  	[simem:s6], [sflag:s4] =	dma.local [hbm:s3], $0xF7A  }
0x26: {  	[smem:$0x3F9E] =	sst s1;
	(tag) =	ssettag s2;
	_ =	strace s9  }
0x27: {  	s1 =	sld [smem:$0x3FAE]  }
0x28: {  	s2 =	sld [smem:$0x3FAF]  }
0x29: {  	s4 =	sld [smem:$0x3FB1]  }
0x2a: {  	p0 =	seq.s32 s5, $0x0;
	s5 =	sld [smem:$0x3FB2]  }
0x2b: {  	s6 =	sld [smem:$0x3FB3]  }
0x2c: {  	s7 =	sld [smem:$0x3FB4]  }
0x2d: {  	s3 =	simm.s32 $0x108;
	s8 =	sld [smem:$0x3FB5]  }
0x2e: {  	s3 =	simm.s32 @!p0 $0x1082;
	s9 =	sld [smem:$0x3FB6]  }
0x2f: {  	lr =	sadd.s32 s0, s3;
	s0 =	sld [smem:$0x3FAD]  }
0x30: {  	s3 =	sld [smem:$0x3FB0]  }
0x31: {  	[smem:$0x3FB9] =	sst s10  }
0x32: {  	s10 =	sld [smem:$0x3FB7];
	_ =	sdelay $0x3  }
0x33: {  	p0 =	seq.s32 s10, $0x1;
	s10 =	sld [smem:$0x3FB9];
	_ =	sdelay $0x3  }
0x34: {  	[smem:$0x3FB9] =	sst s10  }
0x35: {  	s10 =	sld [smem:$0x3FB8];
	_ =	sdelay $0x3  }
0x36: {  	p1 =	seq.s32 s10, $0x1;
	s10 =	sld [smem:$0x3FB9];
	_ =	sdelay $0x3  }
0x37: {  	[smem:$0x3FB9] =	sst s10  }
0x38: {  	s10 =	sld [smem:$0x3FBA]  }
0x39: {  	_ = 	snop;
	(pc) =	sbr.ind lr, $3  }
0x3a: {  	_ = 	snop  }
0x3b: {  	_ = 	snop  }
0x3c: {  	p2 =	seq.s32 s10, $0x1;
	s10 =	sld [smem:$0x3FB9]  }
0x3d: {  	_ =	shalt  }
0x3e: {  	_ =	shalt  }
0x3f: {  	_ =	shalt  }
0x40: {  	_ =	shalt  }
0x41: {  	_ =	shalt  }
0x42: {  	_ =	shalt  }
0x43: {  	_ =	shalt  }
0x44: {  	_ =	shalt  }
0x45: {  	_ =	shalt  }
0x46: {  	_ =	shalt  }
0x47: {  	_ =	shalt  }
0x48: {  	_ =	shalt  }
0x49: {  	_ =	shalt  }
0x4a: {  	_ =	shalt  }
0x4b: {  	_ =	shalt  }
0x4c: {  	_ =	shalt  }
0x4d: {  	_ =	shalt  }
0x4e: {  	_ =	shalt  }
0x4f: {  	_ =	shalt  }
0x50: {  	_ =	shalt  }
0x51: {  	_ =	shalt  }
0x52: {  	_ =	shalt  }
0x53: {  	_ =	shalt  }
0x54: {  	_ =	shalt  }
0x55: {  	_ =	shalt  }
0x56: {  	_ =	shalt  }
0x57: {  	_ =	shalt  }
0x58: {  	_ =	shalt  }
0x59: {  	_ =	shalt  }
0x5a: {  	_ =	shalt  }
0x5b: {  	_ =	shalt  }
0x5c: {  	_ =	shalt  }
0x5d: {  	_ =	shalt  }
0x5e: {  	_ =	shalt  }
0x5f: {  	_ =	shalt  }
0x60: {  	_ =	shalt  }
0x61: {  	_ =	shalt  }
0x62: {  	_ =	shalt  }
0x63: {  	_ =	shalt  }
0x64: {  	_ =	shalt  }
0x65: {  	_ =	shalt  }
0x66: {  	_ =	shalt  }
0x67: {  	_ =	shalt  }
0x68: {  	_ =	shalt  }
0x69: {  	_ =	shalt  }
0x6a: {  	_ =	shalt  }
0x6b: {  	_ =	shalt  }
0x6c: {  	_ =	shalt  }
0x6d: {  	_ =	shalt  }
0x6e: {  	_ =	shalt  }
0x6f: {  	_ =	shalt  }
0x70: {  	_ =	shalt  }
0x71: {  	_ =	shalt  }
0x72: {  	_ =	shalt  }
0x73: {  	_ =	shalt  }
0x74: {  	_ =	shalt  }
0x75: {  	_ =	shalt  }
0x76: {  	_ =	shalt  }
0x77: {  	_ =	shalt  }
0x78: {  	_ =	shalt  }
0x79: {  	_ =	shalt  }
0x7a: {  	_ =	shalt  }
0x7b: {  	_ =	shalt  }
0x7c: {  	_ =	shalt  }
0x7d: {  	_ =	shalt  }
0x7e: {  	_ =	shalt  }
0x7f: {  	_ =	shalt  }
0x80: {  	_ =	shalt  }
0x81: {  	_ =	shalt  }
0x82: {  	_ =	shalt  }
0x83: {  	_ =	shalt  }
0x84: {  	_ =	shalt  }
0x85: {  	_ =	shalt  }
0x86: {  	_ =	shalt  }
0x87: {  	_ =	shalt  }
.Lfunc_end0:
.L_simem_size_0:
called_computation_lowered:
.L_overlay_start_0:
0x88: {  	s2 =	sld [smem:$0x3FD9]  }
0x89: {  	s3 =	sld [smem:$0x3FFE];
	_ =	sdelay $0x1  }
0x8a: {  	s1 =	srdreg.scid  }
0x8b: {  	s0 =	sand.u32 $0x1, s1  }
0x8c: {  	s16 =	sshll.u32 s0, $0xA;
	s2 =	sadd.s32 s3, s2  }
0x8d: {  	s2 =	sadd.s32 s2, s16  }
0x8e: {  	[smem:$0x3FC5] =	sst s2  }
0x8f: {  	_ = 	snop  }
0x90: {  	(tm) =	ssettm $0x1  }
0x91: {  	s17 =	sld [smem:$0x3FFB];
	_ =	sdelay $0x3  }
0x92: {  	_ =	strace s17  }
0x93: {  	s2 =	sld [smem:$0x3FFC];
	_ =	sdelay $0x3  }
0x94: {  	_ =	strace s2  }
0x95: {  	s2 =	sld [smem:$0x3FFD];
	_ =	sdelay $0x3  }
0x96: {  	_ =	strace s2  }
0x97: {  	_ =	strace $0x8FFFFFFF  }
0x98: {  	s18 =	sld [smem:$0x3FDB];
	_ =	sdelay $0x1  }
0x99: {  	s19 =	simm.s32 $_scs_section_size  }
0x9a: {  	s4 =	simm.s32 $_size__tile_overlayer_lowered;
	s5 =	simm.s32 $_tile_overlayer_lowered  }
0x9b: {  	s22 =	simm.s32 $0x1BFF;
	s21 =	sshll.u32 s5, $0x1;
	s2 =	sadd.s32 s19, s18  }
0x9c: {  	s6 =	simm.s32 $0x0;
	s20 =	sshll.u32 s4, $0x1;
	s4 =	sadd.s32 s21, s2  }
0x9d: {  	[timem:s6], [sflag:s22] =	dma.local [hbm:s4], s20  }
0x9e: {  	_ =	swait.ge [sflag:s22], s20  }
0x9f: {  	s3 =	ssub.s32 $0x0, s20;
	[sflag:s22] =	ssyncset.done $0x0  }
0xa0: {  	[sflag:s22] =	ssyncadd.s32 s3;
	_ =	sdelay $0x1  }
0xa1: {  	s23 =	simm.s32 $0x1B8B  }
0xa2: {  	_ =	swait.ge [sflag:s23], $0x1  }
0xa3: {  	[sflag:s23] =	ssyncset.done $0x0  }
0xa4: {  	s25 =	simm.s32 $0x1B8E;
	s24 =	sld [smem:$0x3FFE];
	[sflag:s23] =	ssyncadd.s32 $0xFFFFFFFF  }
0xa5: {  	s26 =	simm.s32 $execute0_lowered;
	[smem:$0x3FD2] =	sst s25  }
0xa6: {  	s4 =	sshll.u32 s26, $0x1;
	_ =	strace $0x80000046;
	[dreg:$0x1] =	wrdreg $0xFFFFFFFF  }
0xa7: {  	s28 =	simm.s32 $_size_execute0_lowered;
	s2 =	sadd.s32 s2, s4;
	[dreg:$0x0] =	wrdreg $0x0  }
0xa8: {  	s4 =	sshll.u32 s28, $0x1;
	[dreg:$0x2] =	wrdreg s2  }
0xa9: {  	[dreg:$0x3] =	wrdreg s4  }
0xaa: {  	[dreg:$0x4] =	wrdreg $0xC0  }
0xab: {  	_ =	task [dreg:s6], $0x5FFFF  }
0xac: {  	[dreg:$0x1] =	wrdreg $0xFFFFFFFF  }
0xad: {  	[dreg:$0x0] =	wrdreg $0x60  }
0xae: {  	[dreg:$0x2] =	wrdreg s24  }
0xaf: {  	[dreg:$0x3] =	wrdreg $0x9  }
0xb0: {  	_ =	task.clear_ibuf [dreg:s6], $0x4FFFF;
	_ =	strace $0x90000046  }
0xb1: {  	s29 =	simm.s32 $0x9;
	_ =	strace $0x80000048  }
0xb2: {  	_ =	swait.ge [sflag:s29], $0x1  }
0xb3: {  	[sflag:s29] =	ssyncadd.s32 $0xFFFFFFFF  }
0xb4: {  	_ =	strace $0x90000048  }
0xb5: {  	_ =	sfence  }
0xb6: {  	s30 =	sld [smem:$0x0];
	_ =	sdelay $0x2  }
0xb7: {  	s31 =	sshll.u32 s1, $0xD;
	s1 =	sshrl.u32 s1, $0x2  }
0xb8: {  	s3 =	sand.u32 $0x4000, s31;
	s1 =	sadd.s32 s1, s30  }
0xb9: {  	s0 =	sor.u32 s3, s0;
	s1 =	sshll.u32 s1, $0x11  }
0xba: {  	s0 =	sor.u32 s1, s0  }
0xbb: {  	s0 =	sadd.s32 $0x8F2B, s0  }
0xbc: {  	[sflag:s0] =	ssyncadd.remote.s32 $0x1  }
0xbd: {  	_ =	sfence.sel $0xFFFF  }
0xbe: {  	[dreg:$0x0] =	wrdreg $0xFFFFFFFF;
	(pc) =	sbr.abs _section_cstart, $3  }
0xbf: {  	[dreg:$0x1] =	wrdreg $0xFFFFFFFF  }
0xc0: {  	_ =	task.clear_ibuf [dreg:s6], $0x2FFFF;
	_ =	strace $0x9FFFFFFF  }
0xc1: {  	(tm) =	ssettm $0x7FFFFFFF  }
tec
execute0_lowered:
.L_overlay_start_1:
0x0: {  	(tag) =	ssettag $0x1  }
0x1: {  	s1 =	srdreg.scid;
	s0 =	stileid.u32  }
0x2: {  	s15 =	sand.u32 $0x1, s1;
	s31 =	sshll.u32 s0, $0x1  }
0x3: {  	s14 =	sor.u32 s15, s31  }
0x4: {  	s13 =	rddreg [dreg:$0x0];
	s3 =	smul.u32 $0x300, s14  }
0x5: {  	s2 =	simm.s32 $0x0;
	s1 =	rddreg [dreg:$0x1];
	s4 =	smul.u32 $0x600, s14  }
0x6: {  	s7 =	simm.s32 $0x10;
	[smem:$0x7FF] =	sst s2;
	s5 =	sadd.s32 s3, s13  }
0x7: {  	_ =	strace $0x80000047;
	s6 =	sadd.s32 s4, s13;
	s3 =	sadd.s32 $0x400, s5  }
0x8: {  	[tilespmem:s2], [sflag:$0x1] =	stream.linear.gather [hbm4b:s3+s2], $0x1800, $0x38;
	[tilespmem:$0x5030] =	vst v63  }
0x9: {  	s4 =	sadd.s32 $0x6400, s5;
	s5 =	sadd.s32 $0xC400, s6;
	s6 =	simm.s32 $0x1810  }
0xa: {  	[tilespmem:s6], [sflag:$0x2] =	stream.linear.gather [hbm4b:s4+s2], $0x1800, $0x38;
	[tilespmem:$0x5030] =	vst v63  }
0xb: {  	s8 =	simm.s32 $0x18;
	s9 =	simm.s32 $0x3020;
	s10 =	simm.s32 $0x1  }
0xc: {  	[tilespmem:s9], [sflag:$0x3] =	stream.strided.gather [hbm4b:s5+s7], $0x2000, s8, s7, $0x38;
	[tilespmem:$0x5030] =	vst v63  }
0xd: {  	_ =	swait.ge [sflag:s10], $0x1800  }
0xe: {  	[sflag:s10] =	ssyncset.done $0x0  }
0xf: {  	s11 =	simm.s32 $0x2;
	[sflag:s10] =	ssyncadd.s32 $0xFFFFE800  }
0x10: {  	_ =	swait.ge [sflag:s11], $0x1800  }
0x11: {  	[sflag:s11] =	ssyncset.done $0x0  }
0x12: {  	s12 =	simm.s32 $0x3;
	[sflag:s11] =	ssyncadd.s32 $0xFFFFE800  }
0x13: {  	_ =	swait.ge [sflag:s12], $0x2000  }
0x14: {  	[sflag:s12] =	ssyncset.done $0x0  }
0x15: {  	[sflag:s12] =	ssyncadd.s32 $0xFFFFE000  }
0x16: {  	v0 =	vld [tilespmem:$0x1834]  }
0x17: {  	v2 =	vld [tilespmem:$0x1810]  }
0x18: {  	v3 =	vld [tilespmem:$0x181C]  }
0x19: {  	v1 =	vld [tilespmem:$0x1828]  }
0x1a: {  	v4 =	vld [tilespmem:$0x0]  }
0x1b: {  	v5 =	vld [tilespmem:$0xC]  }
0x1c: {  	v6 =	vld [tilespmem:$0x3020];
	vm4 =	vgt.f32 v2, $1.000000050e-03  }
0x1d: {  	v7 =	vld [tilespmem:$0x3030];
	vm2 =	vgt.f32 v3, $1.000000050e-03;
	v8 =	vnsel vm4, $0x3F800000, v2  }
0x1e: {  	v9 =	vld [tilespmem:$0x18];
	v10 =	vnsel vm2, $0x3F800000, v3;
	(erf) = vrcp.f32 v8  }
0x1f: {  	v11 =	vld [tilespmem:$0x3040];
	vm1 =	vgt.f32 v1, $1.000000050e-03;
	(erf) = vrcp.f32 v10  }
0x20: {  	v53 =	vld [tilespmem:$0x24];
	vm3 =	vgt.f32 v0, $1.000000050e-03;
	v52 =	vnsel vm1, $0x3F800000, v1  }
0x21: {  	v55 =	vnsel vm3, $0x3F800000, v0;
	(erf) = vrcp.f32 v52  }
0x22: {  	v54 =	vld [tilespmem:$0x3050];
	vm0 =	vgt.f32 v4, $0.0e+00;
	(erf) = vrcp.f32 v55  }
0x23: {  	vm5 =	vgt.f32 v9, $0.0e+00;
	v6 =	vnsel vm0, $0x0, v6;
	vm0 =	vgt.f32 v5, $0.0e+00  }
0x24: {  	v57 =	vnsel vm5, $0x0, v11;
	v56 =	vnsel vm0, $0x0, v7  }
0x25: {  	v2 =	vsub.f32 v6, v2;
	vm0 =	vgt.f32 v53, $0.0e+00;
	v3 =	vsub.f32 v56, v3  }
0x26: {  	v1 =	vsub.f32 v57, v1;
	v6 =	vmul.f32 v6, v6;
	v5 =	vmul.f32 v57, v57  }
0x27: {  	v58 =	vnsel vm0, $0x0, v54;
	v2 =	vmul.f32 v2, v2;
	v3 =	vmul.f32 v3, v3;
	v59 =	vpop (erf)  }
0x28: {  	v4 =	vmul.f32 v56, v56;
	v0 =	vsub.f32 v58, v0;
	v1 =	vmul.f32 v1, v1;
	v60 =	vpop (erf)  }
0x29: {  	v2 =	vmul.f32 v2, v59;
	v3 =	vmul.f32 v3, v60  }
0x2a: {  	vm0 =	vmmov $0xfff;
	v63 =	vmul.f32 v58, v58;
	v0 =	vmul.f32 v0, v0;
	v61 =	vpop (erf)  }
0x2b: {  	v2 =	vsel vm4, v2, v6;
	v1 =	vmul.f32 v1, v61;
	v62 =	vpop (erf);
	v3 =	vsel vm2, v3, v4  }
0x2c: {  	s15 =	ssub.s32 $0x2, s15;
	v2 =	vnsel vm0, $0x0, v2;
	v0 =	vmul.f32 v0, v62;
	v3 =	vnsel vm0, $0x0, v3  }
0x2d: {  	s16 =	sshrl.u32 s15, $0x1;
	v1 =	vsel vm1, v1, v5;
	v2 =	vadd.f32 $0.0e+00, v2;
	v3 =	vadd.f32 $0.0e+00, v3  }
0x2e: {  	s15 =	ssub.s32 s15, s16;
	v1 =	vnsel vm0, $0x0, v1  }
0x2f: {  	s16 =	smax.u32 s15, $0x1;
	v0 =	vsel vm3, v0, v63;
	v1 =	vadd.f32 $0.0e+00, v1;
	v2 =	vadd.f32 v3, v2  }
0x30: {  	p0 =	sne.s32 s16, $0x1;
	v0 =	vnsel vm0, $0x0, v0  }
.Ltmp0:
0x31: {  	v0 =	vadd.f32 $0.0e+00, v0;
	v1 =	vadd.f32 v1, v2;
	(pc) =	sbr.rel @!p0 .LBB2_2-.Ltmp0, $4  }
0x32: {  	_ = 	snop  }
0x33: {  	s14 =	sshll.u32 s14, $0x1;
	v0 =	vadd.f32 v0, v1  }
0x34: {  	s13 =	sadd.s32 s14, s13;
	s15 =	simm.s32 $0x5020  }
0x35: {  	s14 =	simm.s32 $0x4;
	s13 =	sadd.s32 $0x18400, s13;
	s16 =	sadd.s32 $0xFFFFFFFF, s16;
	[tilespmem:$0x5020] =	vst v0  }
.LBB2_1:
0x36: {  	[hbm4b:s13+s2] =	stream.linear.scatter [tilespmem:s15], [sflag:$0x4], $0x10, $0x38;
	[tilespmem:$0x5030] =	vst v63  }
0x37: {  	p0 =	sne.s32 s16, $0x1;
	s16 =	sadd.s32 $0xFFFFFFFF, s16;
	_ =	swait.ge [sflag:s14], $0x10  }
0x38: {  	[sflag:s14] =	ssyncset.done $0x0  }
0x39: {  	[sflag:s14] =	ssyncadd.s32 $0xFFFFFFF0;
	_ =	sdelay $0x3  }
0x3a: {  	[tilespmem:s2], [sflag:$0x1] =	stream.linear.gather [hbm4b:s3+s2], $0x1800, $0x38;
	[tilespmem:$0x5030] =	vst v63  }
0x3b: {  	_ = 	snop  }
0x3c: {  	[tilespmem:s6], [sflag:$0x2] =	stream.linear.gather [hbm4b:s4+s2], $0x1800, $0x38;
	[tilespmem:$0x5030] =	vst v63  }
0x3d: {  	_ = 	snop  }
0x3e: {  	[tilespmem:s9], [sflag:$0x3] =	stream.strided.gather [hbm4b:s5+s7], $0x2000, s8, s7, $0x38;
	[tilespmem:$0x5030] =	vst v63  }
0x3f: {  	_ =	swait.ge [sflag:s10], $0x1800  }
0x40: {  	[sflag:s10] =	ssyncset.done $0x0  }
0x41: {  	[sflag:s10] =	ssyncadd.s32 $0xFFFFE800  }
0x42: {  	_ =	swait.ge [sflag:s11], $0x1800  }
0x43: {  	[sflag:s11] =	ssyncset.done $0x0  }
0x44: {  	[sflag:s11] =	ssyncadd.s32 $0xFFFFE800  }
0x45: {  	_ =	swait.ge [sflag:s12], $0x2000  }
0x46: {  	[sflag:s12] =	ssyncset.done $0x0  }
0x47: {  	[sflag:s12] =	ssyncadd.s32 $0xFFFFE000  }
0x48: {  	v0 =	vld [tilespmem:$0x1834]  }
0x49: {  	v1 =	vld [tilespmem:$0x1828]  }
0x4a: {  	v2 =	vld [tilespmem:$0x1810]  }
0x4b: {  	v3 =	vld [tilespmem:$0x181C]  }
0x4c: {  	v4 =	vld [tilespmem:$0x0]  }
0x4d: {  	v5 =	vld [tilespmem:$0xC]  }
0x4e: {  	v6 =	vld [tilespmem:$0x3020]  }
0x4f: {  	vm2 =	vgt.f32 v1, $1.000000050e-03;
	vm4 =	vgt.f32 v2, $1.000000050e-03;
	v7 =	vld [tilespmem:$0x3030]  }
0x50: {  	vm1 =	vgt.f32 v0, $1.000000050e-03;
	v8 =	vnsel vm4, $0x3F800000, v2;
	vm3 =	vgt.f32 v3, $1.000000050e-03;
	v9 =	vld [tilespmem:$0x18]  }
0x51: {  	vm5 =	vgt.f32 v4, $0.0e+00;
	v4 =	vnsel vm3, $0x3F800000, v3;
	v10 =	vld [tilespmem:$0x3040];
	(erf) = vrcp.f32 v8  }
0x52: {  	vm6 =	vgt.f32 v5, $0.0e+00;
	v5 =	vnsel vm2, $0x3F800000, v1;
	v8 =	vld [tilespmem:$0x24];
	(erf) = vrcp.f32 v4  }
0x53: {  	v11 =	vnsel vm1, $0x3F800000, v0;
	v4 =	vnsel vm5, $0x0, v6;
	v6 =	vld [tilespmem:$0x3050];
	(erf) = vrcp.f32 v5  }
0x54: {  	v2 =	vsub.f32 v4, v2;
	v5 =	vnsel vm6, $0x0, v7;
	(erf) = vrcp.f32 v11  }
0x55: {  	v3 =	vsub.f32 v5, v3;
	vm5 =	vgt.f32 v9, $0.0e+00  }
0x56: {  	v7 =	vnsel vm5, $0x0, v10  }
0x57: {  	v1 =	vsub.f32 v7, v1;
	vm5 =	vgt.f32 v8, $0.0e+00  }
0x58: {  	v6 =	vnsel vm5, $0x0, v6  }
0x59: {  	v4 =	vmul.f32 v4, v4;
	v2 =	vmul.f32 v2, v2;
	v0 =	vsub.f32 v6, v0  }
0x5a: {  	v3 =	vmul.f32 v3, v3;
	v1 =	vmul.f32 v1, v1;
	v8 =	vpop (erf)  }
0x5b: {  	v2 =	vmul.f32 v2, v8;
	v0 =	vmul.f32 v0, v0;
	v8 =	vpop (erf)  }
0x5c: {  	v5 =	vmul.f32 v5, v5;
	v3 =	vmul.f32 v3, v8;
	v8 =	vpop (erf)  }
0x5d: {  	v2 =	vsel vm4, v2, v4;
	v1 =	vmul.f32 v1, v8;
	v4 =	vmul.f32 v7, v7;
	v7 =	vpop (erf)  }
0x5e: {  	v2 =	vnsel vm0, $0x0, v2;
	v3 =	vsel vm3, v3, v5;
	v0 =	vmul.f32 v0, v7  }
0x5f: {  	v3 =	vnsel vm0, $0x0, v3;
	v1 =	vsel vm2, v1, v4;
	v4 =	vmul.f32 v6, v6  }
0x60: {  	v2 =	vadd.f32 $0.0e+00, v2;
	v3 =	vadd.f32 $0.0e+00, v3;
	v1 =	vnsel vm0, $0x0, v1  }
0x61: {  	v0 =	vsel vm1, v0, v4  }
0x62: {  	v1 =	vadd.f32 $0.0e+00, v1;
	v0 =	vnsel vm0, $0x0, v0;
	v2 =	vadd.f32 v3, v2;
	_ =	sdelay $0x1  }
.Ltmp1:
0x63: {  	v0 =	vadd.f32 $0.0e+00, v0;
	v1 =	vadd.f32 v1, v2;
	(pc) =	sbr.rel @p0 .LBB2_1-.Ltmp1, $3  }
0x64: {  	_ = 	snop  }
0x65: {  	v0 =	vadd.f32 v0, v1;
	_ =	sdelay $0x1  }
0x66: {  	[tilespmem:$0x5020] =	vst v0  }
.LBB2_2:
0x67: {  	[hbm4b:s13+s2] =	stream.linear.scatter [tilespmem:s15], [sflag:$0x4], $0x10, $0x38;
	[tilespmem:$0x5030] =	vst v63  }
0x68: {  	_ =	swait.ge [sflag:s14], $0x10  }
0x69: {  	[sflag:s14] =	ssyncset.done $0x0  }
0x6a: {  	[sflag:s14] =	ssyncadd.s32 $0xFFFFFFF0  }
0x6b: {  	_ =	sfence.sel $0x180000  }
0x6c: {  	[bflag:$0x0] =	sbarrier.arrive $0xFFFF  }
0x6d: {  	p0 =	sne.s32 s0, $0x0;
	_ =	strace $0x90000047  }
0x6e: {  	s0 =	sadd.s32 @!p0 $0x100000, s1;
	[bflag:$0x2] =	sbarrier.arrive $0xFFFF  }
0x6f: {  	[sflag:s0] =	ssyncadd.tile.s32 @!p0 $0x1;
	_ =	shalt  }
.Lfunc_end2:
_tile_overlayer_lowered:
.L_overlay_start_2:
0x70: {  	(tag) =	ssettag $0x2  }
0x71: {  	s0 =	rddreg [dreg:$0x0];
	s2 =	stileid.u32  }
0x72: {  	s1 =	rddreg [dreg:$0x1];
	p0 =	sne.s32 s2, $0x0  }
0x73: {  	s3 =	rddreg [dreg:$0x2];
	[bflag:$0x3] =	sbarrier.arrive $0xFFFF;
	s2 =	simm.s32 @!p0 $0x1C04  }
0x74: {  	[timem:s3], [sflag:s2] =	dma.local @!p0 [hbm:s0], s1  }
0x75: {  	s0 =	simm.s32 @!p0 $0x4  }
0x76: {  	_ =	swait.ge @!p0 [sflag:s0], s1  }
0x77: {  	s1 =	ssub.s32 @!p0 $0x0, s1;
	[sflag:s0] =	ssyncset.done @!p0 $0x0  }
0x78: {  	[sflag:s0] =	ssyncadd.s32 @!p0 s1  }
0x79: {  	[bflag:$0x3] =	sbarrier.arrive $0xFFFF  }
0x7a: {  	_ =	shalt  }

</sc_bundles>
